<compile_context>
chip_gen: v7x
topology: tpu7x:2x2x1
jax: 0.10.2.dev20260603
libtpu: 0.0.44.dev20260713+nightly
codegen_flags: <defaults>
</compile_context>

<pallas_src>
import functools

import jax
import jax.numpy as jnp
from jax import lax
from jax.experimental import pallas as pl
from jax.experimental.pallas import tpu as pltpu
from jax.experimental.pallas import tpu_sc as plsc

_L = 16
_NC = 2
_NS = 16


@functools.cache
def _make_fill(B: int, nc: int = _NC, ns: int = _NS):
    nw = nc * ns
    bpw = B // nw

    mesh = plsc.VectorSubcoreMesh(
        core_axis_name="c", subcore_axis_name="s",
        num_cores=nc, num_subcores=ns,
    )

    @functools.partial(
        pl.kernel,
        out_type=(
            jax.ShapeDtypeStruct((B,), jnp.float32),
            jax.ShapeDtypeStruct((B,), jnp.float32),
        ),
        mesh=mesh,
        compiler_params=pltpu.CompilerParams(needs_layout_passes=False),
        scratch_types=[
            pltpu.VMEM((2,), jnp.float32),
            pltpu.VMEM((bpw,), jnp.float32),
            pltpu.VMEM((bpw,), jnp.float32),
            pltpu.SemaphoreType.DMA,
            pltpu.SemaphoreType.DMA,
        ],
    )
    def fill(param_hbm, out0_hbm, out1_hbm, pv, buf0, buf1, sem0, sem1):
        wid = lax.axis_index("s") * nc + lax.axis_index("c")
        base = wid * bpw
        pltpu.sync_copy(param_hbm, pv)
        v0 = plsc.load_gather(pv, [jnp.zeros((_L,), jnp.int32)])
        v1 = plsc.load_gather(pv, [jnp.ones((_L,), jnp.int32)])
        for i in range(bpw // _L):
            buf0[pl.ds(i * _L, _L)] = v0
        cp0 = pltpu.async_copy(buf0, out0_hbm.at[pl.ds(base, bpw)], sem0)
        for i in range(bpw // _L):
            buf1[pl.ds(i * _L, _L)] = v1
        cp1 = pltpu.async_copy(buf1, out1_hbm.at[pl.ds(base, bpw)], sem1)
        cp0.wait()
        cp1.wait()

    return fill


def kernel(x, x_pa, param):
    B = x.shape[0]
    out0, out1 = _make_fill(B, 1)(param)
    return (out0[:, None], out1[:, None])

# --- scband reference (transcript-rebuilt; emitter-appended) ---
"""Pipeline reference for scband-param-table-17712445129393 (READ-ONLY COPY).

The authoritative reference and input builder live on the scoring server;
editing this copy changes nothing except your own understanding.
"""

import jax, jax.numpy as jnp
import numpy as np

NUM_CLASSES = 2
B = 16384

def setup_inputs(seed: int = 0) -> dict:
    key = jax.random.key(seed)
    x = jax.random.normal(jax.random.fold_in(key, 0), (B, 1), dtype=jnp.float32)
    # num_input_states == 0 -> every x_pa[i].tolist() == [] -> key '[]' -> same single param
    x_pa = jnp.zeros((B, 0), dtype=jnp.int32)
    # the single learned parameter stored under key '[]', shape [2*(num_classes-1)] = [2]
    param = jnp.zeros((2 * (NUM_CLASSES - 1),), dtype=jnp.float32)
    return {"x": x, "x_pa": x_pa, "param": param}

def reference(x, x_pa, param):
    # Original torch module: for each batch element i, look up param_dict[str(x_pa[i].tolist())]
    # and stack. With num_input_states=0, x_pa has 0 columns so every lookup hits the same
    # table row. Expressed as a gather so it maps to SparseCore-style indexed lookup.
    n = x.shape[0]
    idx = jnp.zeros((n,), dtype=jnp.int32)          # all rows index table row 0
    table = param[None, :]                          # [1, 2*(num_classes-1)]
    gathered = jnp.take(table, idx, axis=0)         # [B, 2*(num_classes-1)]
    out0 = gathered[:, : NUM_CLASSES - 1]           # [B, num_classes-1]
    out1 = gathered[:, NUM_CLASSES - 1 :]           # [B, num_classes-1]
    return (out0, out1)

if __name__ == "__main__":
    import jax
    _d = setup_inputs()
    print(jax.jit(kernel)(*tuple(_d.values())))

</pallas_src>

<mosaic_0001>
#map = affine_map<(d0, d1) -> (0)>
module attributes {stable_mosaic.version = 14 : i64} {
  func.func @fill(%arg0: i32, %arg1: i32, %arg2: memref<2xf32, #tpu.memory_space<hbm>>, %arg3: memref<16384xf32, #tpu.memory_space<hbm>>, %arg4: memref<16384xf32, #tpu.memory_space<hbm>>, %arg5: memref<2xf32, #tpu.memory_space<vmem>>, %arg6: memref<1024xf32, #tpu.memory_space<vmem>>, %arg7: memref<1024xf32, #tpu.memory_space<vmem>>, %arg8: memref<!tpu.dma_semaphore, #tpu.memory_space<semaphore_mem>>, %arg9: memref<!tpu.dma_semaphore, #tpu.memory_space<semaphore_mem>>) attributes {dimension_semantics = [#tpu.dimension_semantics<core_parallel>, #tpu.dimension_semantics<subcore_parallel>], iteration_bounds = array<i64: 1, 16>, scalar_prefetch = 0 : i64, scratch_operands = 5 : i64, tpu.core_type = #tpu.core_type<sc_vector_subcore>, window_params = [{transform_indices = #map}, {transform_indices = #map}, {transform_indices = #map}]} {
    %mul3A = arith.constant 1 : i32
    %mul3A_0 = arith.muli %arg1, %mul3A : i32
    %add3A = arith.addi %mul3A_0, %arg0 : i32
    %mul3A_1 = arith.constant 1024 : i32
    %mul3A_2 = arith.muli %add3A, %mul3A_1 : i32
    "tpu.region"() ({
      %run_scoped3A = tpu.sem_alloc : memref<!tpu.dma_semaphore, #tpu.memory_space<semaphore_mem>>
      tpu.enqueue_dma source(%arg2 : memref<2xf32, #tpu.memory_space<hbm>>) target(%arg5 : memref<2xf32, #tpu.memory_space<vmem>>) target_semaphore(%run_scoped3A : memref<!tpu.dma_semaphore, #tpu.memory_space<semaphore_mem>>)
      tpu.wait_dma2 semaphore(%run_scoped3A : memref<!tpu.dma_semaphore, #tpu.memory_space<semaphore_mem>>) src(%arg2 : memref<2xf32, #tpu.memory_space<hbm>>) dst(%arg5 : memref<2xf32, #tpu.memory_space<vmem>>)
      tpu.yield
    }) : () -> ()
    %broadcast_in_dim3A = arith.constant 0 : i32
    %broadcast_in_dim3A_3 = vector.broadcast %broadcast_in_dim3A : i32 to vector<16xi32>
    %gather3A = tpu.vector_load_idx %arg5[%broadcast_in_dim3A_3] : memref<2xf32, #tpu.memory_space<vmem>>[vector<16xi32>], vector<16xf32>,
    %broadcast_in_dim3A_4 = arith.constant 1 : i32
    %broadcast_in_dim3A_5 = vector.broadcast %broadcast_in_dim3A_4 : i32 to vector<16xi32>
    %gather3A_6 = tpu.vector_load_idx %arg5[%broadcast_in_dim3A_5] : memref<2xf32, #tpu.memory_space<vmem>>[vector<16xi32>], vector<16xf32>,
    %swap3A = arith.constant 0 : index
    %swap3A_7 = tpu.vector_load %arg6[%swap3A] {strides = array<i32>} : memref<1024xf32, #tpu.memory_space<vmem>>, vector<16xf32>,
    tpu.vector_store %arg6[%swap3A], %gather3A {strides = array<i32>} : memref<1024xf32, #tpu.memory_space<vmem>>, vector<16xf32>,
    %swap3A_8 = arith.constant 16 : index
    %swap3A_9 = tpu.vector_load %arg6[%swap3A_8] {strides = array<i32>} : memref<1024xf32, #tpu.memory_space<vmem>>, vector<16xf32>,
    tpu.vector_store %arg6[%swap3A_8], %gather3A {strides = array<i32>} : memref<1024xf32, #tpu.memory_space<vmem>>, vector<16xf32>,
    %swap3A_10 = arith.constant 32 : index
    %swap3A_11 = tpu.vector_load %arg6[%swap3A_10] {strides = array<i32>} : memref<1024xf32, #tpu.memory_space<vmem>>, vector<16xf32>,
    tpu.vector_store %arg6[%swap3A_10], %gather3A {strides = array<i32>} : memref<1024xf32, #tpu.memory_space<vmem>>, vector<16xf32>,
    %swap3A_12 = arith.constant 48 : index
    %swap3A_13 = tpu.vector_load %arg6[%swap3A_12] {strides = array<i32>} : memref<1024xf32, #tpu.memory_space<vmem>>, vector<16xf32>,
    tpu.vector_store %arg6[%swap3A_12], %gather3A {strides = array<i32>} : memref<1024xf32, #tpu.memory_space<vmem>>, vector<16xf32>,
    %swap3A_14 = arith.constant 64 : index
    %swap3A_15 = tpu.vector_load %arg6[%swap3A_14] {strides = array<i32>} : memref<1024xf32, #tpu.memory_space<vmem>>, vector<16xf32>,
    tpu.vector_store %arg6[%swap3A_14], %gather3A {strides = array<i32>} : memref<1024xf32, #tpu.memory_space<vmem>>, vector<16xf32>,
    %swap3A_16 = arith.constant 80 : index
    %swap3A_17 = tpu.vector_load %arg6[%swap3A_16] {strides = array<i32>} : memref<1024xf32, #tpu.memory_space<vmem>>, vector<16xf32>,
    tpu.vector_store %arg6[%swap3A_16], %gather3A {strides = array<i32>} : memref<1024xf32, #tpu.memory_space<vmem>>, vector<16xf32>,
    %swap3A_18 = arith.constant 96 : index
    %swap3A_19 = tpu.vector_load %arg6[%swap3A_18] {strides = array<i32>} : memref<1024xf32, #tpu.memory_space<vmem>>, vector<16xf32>,
    tpu.vector_store %arg6[%swap3A_18], %gather3A {strides = array<i32>} : memref<1024xf32, #tpu.memory_space<vmem>>, vector<16xf32>,
    %swap3A_20 = arith.constant 112 : index
    %swap3A_21 = tpu.vector_load %arg6[%swap3A_20] {strides = array<i32>} : memref<1024xf32, #tpu.memory_space<vmem>>, vector<16xf32>,
    tpu.vector_store %arg6[%swap3A_20], %gather3A {strides = array<i32>} : memref<1024xf32, #tpu.memory_space<vmem>>, vector<16xf32>,
    %swap3A_22 = arith.constant 128 : index
    %swap3A_23 = tpu.vector_load %arg6[%swap3A_22] {strides = array<i32>} : memref<1024xf32, #tpu.memory_space<vmem>>, vector<16xf32>,
    tpu.vector_store %arg6[%swap3A_22], %gather3A {strides = array<i32>} : memref<1024xf32, #tpu.memory_space<vmem>>, vector<16xf32>,
    %swap3A_24 = arith.constant 144 : index
    %swap3A_25 = tpu.vector_load %arg6[%swap3A_24] {strides = array<i32>} : memref<1024xf32, #tpu.memory_space<vmem>>, vector<16xf32>,
    tpu.vector_store %arg6[%swap3A_24], %gather3A {strides = array<i32>} : memref<1024xf32, #tpu.memory_space<vmem>>, vector<16xf32>,
    %swap3A_26 = arith.constant 160 : index
    %swap3A_27 = tpu.vector_load %arg6[%swap3A_26] {strides = array<i32>} : memref<1024xf32, #tpu.memory_space<vmem>>, vector<16xf32>,
    tpu.vector_store %arg6[%swap3A_26], %gather3A {strides = array<i32>} : memref<1024xf32, #tpu.memory_space<vmem>>, vector<16xf32>,
    %swap3A_28 = arith.constant 176 : index
    %swap3A_29 = tpu.vector_load %arg6[%swap3A_28] {strides = array<i32>} : memref<1024xf32, #tpu.memory_space<vmem>>, vector<16xf32>,
    tpu.vector_store %arg6[%swap3A_28], %gather3A {strides = array<i32>} : memref<1024xf32, #tpu.memory_space<vmem>>, vector<16xf32>,
    %swap3A_30 = arith.constant 192 : index
    %swap3A_31 = tpu.vector_load %arg6[%swap3A_30] {strides = array<i32>} : memref<1024xf32, #tpu.memory_space<vmem>>, vector<16xf32>,
    tpu.vector_store %arg6[%swap3A_30], %gather3A {strides = array<i32>} : memref<1024xf32, #tpu.memory_space<vmem>>, vector<16xf32>,
    %swap3A_32 = arith.constant 208 : index
    %swap3A_33 = tpu.vector_load %arg6[%swap3A_32] {strides = array<i32>} : memref<1024xf32, #tpu.memory_space<vmem>>, vector<16xf32>,
    tpu.vector_store %arg6[%swap3A_32], %gather3A {strides = array<i32>} : memref<1024xf32, #tpu.memory_space<vmem>>, vector<16xf32>,
    %swap3A_34 = arith.constant 224 : index
    %swap3A_35 = tpu.vector_load %arg6[%swap3A_34] {strides = array<i32>} : memref<1024xf32, #tpu.memory_space<vmem>>, vector<16xf32>,
    tpu.vector_store %arg6[%swap3A_34], %gather3A {strides = array<i32>} : memref<1024xf32, #tpu.memory_space<vmem>>, vector<16xf32>,
    %swap3A_36 = arith.constant 240 : index
    %swap3A_37 = tpu.vector_load %arg6[%swap3A_36] {strides = array<i32>} : memref<1024xf32, #tpu.memory_space<vmem>>, vector<16xf32>,
    tpu.vector_store %arg6[%swap3A_36], %gather3A {strides = array<i32>} : memref<1024xf32, #tpu.memory_space<vmem>>, vector<16xf32>,
    %swap3A_38 = arith.constant 256 : index
    %swap3A_39 = tpu.vector_load %arg6[%swap3A_38] {strides = array<i32>} : memref<1024xf32, #tpu.memory_space<vmem>>, vector<16xf32>,
    tpu.vector_store %arg6[%swap3A_38], %gather3A {strides = array<i32>} : memref<1024xf32, #tpu.memory_space<vmem>>, vector<16xf32>,
    %swap3A_40 = arith.constant 272 : index
    %swap3A_41 = tpu.vector_load %arg6[%swap3A_40] {strides = array<i32>} : memref<1024xf32, #tpu.memory_space<vmem>>, vector<16xf32>,
    tpu.vector_store %arg6[%swap3A_40], %gather3A {strides = array<i32>} : memref<1024xf32, #tpu.memory_space<vmem>>, vector<16xf32>,
    %swap3A_42 = arith.constant 288 : index
    %swap3A_43 = tpu.vector_load %arg6[%swap3A_42] {strides = array<i32>} : memref<1024xf32, #tpu.memory_space<vmem>>, vector<16xf32>,
    tpu.vector_store %arg6[%swap3A_42], %gather3A {strides = array<i32>} : memref<1024xf32, #tpu.memory_space<vmem>>, vector<16xf32>,
    %swap3A_44 = arith.constant 304 : index
    %swap3A_45 = tpu.vector_load %arg6[%swap3A_44] {strides = array<i32>} : memref<1024xf32, #tpu.memory_space<vmem>>, vector<16xf32>,
    tpu.vector_store %arg6[%swap3A_44], %gather3A {strides = array<i32>} : memref<1024xf32, #tpu.memory_space<vmem>>, vector<16xf32>,
    %swap3A_46 = arith.constant 320 : index
    %swap3A_47 = tpu.vector_load %arg6[%swap3A_46] {strides = array<i32>} : memref<1024xf32, #tpu.memory_space<vmem>>, vector<16xf32>,
    tpu.vector_store %arg6[%swap3A_46], %gather3A {strides = array<i32>} : memref<1024xf32, #tpu.memory_space<vmem>>, vector<16xf32>,
    %swap3A_48 = arith.constant 336 : index
    %swap3A_49 = tpu.vector_load %arg6[%swap3A_48] {strides = array<i32>} : memref<1024xf32, #tpu.memory_space<vmem>>, vector<16xf32>,
    tpu.vector_store %arg6[%swap3A_48], %gather3A {strides = array<i32>} : memref<1024xf32, #tpu.memory_space<vmem>>, vector<16xf32>,
    %swap3A_50 = arith.constant 352 : index
    %swap3A_51 = tpu.vector_load %arg6[%swap3A_50] {strides = array<i32>} : memref<1024xf32, #tpu.memory_space<vmem>>, vector<16xf32>,
    tpu.vector_store %arg6[%swap3A_50], %gather3A {strides = array<i32>} : memref<1024xf32, #tpu.memory_space<vmem>>, vector<16xf32>,
    %swap3A_52 = arith.constant 368 : index
    %swap3A_53 = tpu.vector_load %arg6[%swap3A_52] {strides = array<i32>} : memref<1024xf32, #tpu.memory_space<vmem>>, vector<16xf32>,
    tpu.vector_store %arg6[%swap3A_52], %gather3A {strides = array<i32>} : memref<1024xf32, #tpu.memory_space<vmem>>, vector<16xf32>,
    %swap3A_54 = arith.constant 384 : index
    %swap3A_55 = tpu.vector_load %arg6[%swap3A_54] {strides = array<i32>} : memref<1024xf32, #tpu.memory_space<vmem>>, vector<16xf32>,
    tpu.vector_store %arg6[%swap3A_54], %gather3A {strides = array<i32>} : memref<1024xf32, #tpu.memory_space<vmem>>, vector<16xf32>,
    %swap3A_56 = arith.constant 400 : index
    %swap3A_57 = tpu.vector_load %arg6[%swap3A_56] {strides = array<i32>} : memref<1024xf32, #tpu.memory_space<vmem>>, vector<16xf32>,
    tpu.vector_store %arg6[%swap3A_56], %gather3A {strides = array<i32>} : memref<1024xf32, #tpu.memory_space<vmem>>, vector<16xf32>,
    %swap3A_58 = arith.constant 416 : index
    %swap3A_59 = tpu.vector_load %arg6[%swap3A_58] {strides = array<i32>} : memref<1024xf32, #tpu.memory_space<vmem>>, vector<16xf32>,
    tpu.vector_store %arg6[%swap3A_58], %gather3A {strides = array<i32>} : memref<1024xf32, #tpu.memory_space<vmem>>, vector<16xf32>,
    %swap3A_60 = arith.constant 432 : index
    %swap3A_61 = tpu.vector_load %arg6[%swap3A_60] {strides = array<i32>} : memref<1024xf32, #tpu.memory_space<vmem>>, vector<16xf32>,
    tpu.vector_store %arg6[%swap3A_60], %gather3A {strides = array<i32>} : memref<1024xf32, #tpu.memory_space<vmem>>, vector<16xf32>,
    %swap3A_62 = arith.constant 448 : index
    %swap3A_63 = tpu.vector_load %arg6[%swap3A_62] {strides = array<i32>} : memref<1024xf32, #tpu.memory_space<vmem>>, vector<16xf32>,
    tpu.vector_store %arg6[%swap3A_62], %gather3A {strides = array<i32>} : memref<1024xf32, #tpu.memory_space<vmem>>, vector<16xf32>,
    %swap3A_64 = arith.constant 464 : index
    %swap3A_65 = tpu.vector_load %arg6[%swap3A_64] {strides = array<i32>} : memref<1024xf32, #tpu.memory_space<vmem>>, vector<16xf32>,
    tpu.vector_store %arg6[%swap3A_64], %gather3A {strides = array<i32>} : memref<1024xf32, #tpu.memory_space<vmem>>, vector<16xf32>,
    %swap3A_66 = arith.constant 480 : index
    %swap3A_67 = tpu.vector_load %arg6[%swap3A_66] {strides = array<i32>} : memref<1024xf32, #tpu.memory_space<vmem>>, vector<16xf32>,
    tpu.vector_store %arg6[%swap3A_66], %gather3A {strides = array<i32>} : memref<1024xf32, #tpu.memory_space<vmem>>, vector<16xf32>,
    %swap3A_68 = arith.constant 496 : index
    %swap3A_69 = tpu.vector_load %arg6[%swap3A_68] {strides = array<i32>} : memref<1024xf32, #tpu.memory_space<vmem>>, vector<16xf32>,
    tpu.vector_store %arg6[%swap3A_68], %gather3A {strides = array<i32>} : memref<1024xf32, #tpu.memory_space<vmem>>, vector<16xf32>,
    %swap3A_70 = arith.constant 512 : index
    %swap3A_71 = tpu.vector_load %arg6[%swap3A_70] {strides = array<i32>} : memref<1024xf32, #tpu.memory_space<vmem>>, vector<16xf32>,
    tpu.vector_store %arg6[%swap3A_70], %gather3A {strides = array<i32>} : memref<1024xf32, #tpu.memory_space<vmem>>, vector<16xf32>,
    %swap3A_72 = arith.constant 528 : index
    %swap3A_73 = tpu.vector_load %arg6[%swap3A_72] {strides = array<i32>} : memref<1024xf32, #tpu.memory_space<vmem>>, vector<16xf32>,
    tpu.vector_store %arg6[%swap3A_72], %gather3A {strides = array<i32>} : memref<1024xf32, #tpu.memory_space<vmem>>, vector<16xf32>,
    %swap3A_74 = arith.constant 544 : index
    %swap3A_75 = tpu.vector_load %arg6[%swap3A_74] {strides = array<i32>} : memref<1024xf32, #tpu.memory_space<vmem>>, vector<16xf32>,
    tpu.vector_store %arg6[%swap3A_74], %gather3A {strides = array<i32>} : memref<1024xf32, #tpu.memory_space<vmem>>, vector<16xf32>,
    %swap3A_76 = arith.constant 560 : index
    %swap3A_77 = tpu.vector_load %arg6[%swap3A_76] {strides = array<i32>} : memref<1024xf32, #tpu.memory_space<vmem>>, vector<16xf32>,
    tpu.vector_store %arg6[%swap3A_76], %gather3A {strides = array<i32>} : memref<1024xf32, #tpu.memory_space<vmem>>, vector<16xf32>,
    %swap3A_78 = arith.constant 576 : index
    %swap3A_79 = tpu.vector_load %arg6[%swap3A_78] {strides = array<i32>} : memref<1024xf32, #tpu.memory_space<vmem>>, vector<16xf32>,
    tpu.vector_store %arg6[%swap3A_78], %gather3A {strides = array<i32>} : memref<1024xf32, #tpu.memory_space<vmem>>, vector<16xf32>,
    %swap3A_80 = arith.constant 592 : index
    %swap3A_81 = tpu.vector_load %arg6[%swap3A_80] {strides = array<i32>} : memref<1024xf32, #tpu.memory_space<vmem>>, vector<16xf32>,
    tpu.vector_store %arg6[%swap3A_80], %gather3A {strides = array<i32>} : memref<1024xf32, #tpu.memory_space<vmem>>, vector<16xf32>,
    %swap3A_82 = arith.constant 608 : index
    %swap3A_83 = tpu.vector_load %arg6[%swap3A_82] {strides = array<i32>} : memref<1024xf32, #tpu.memory_space<vmem>>, vector<16xf32>,
    tpu.vector_store %arg6[%swap3A_82], %gather3A {strides = array<i32>} : memref<1024xf32, #tpu.memory_space<vmem>>, vector<16xf32>,
    %swap3A_84 = arith.constant 624 : index
    %swap3A_85 = tpu.vector_load %arg6[%swap3A_84] {strides = array<i32>} : memref<1024xf32, #tpu.memory_space<vmem>>, vector<16xf32>,
    tpu.vector_store %arg6[%swap3A_84], %gather3A {strides = array<i32>} : memref<1024xf32, #tpu.memory_space<vmem>>, vector<16xf32>,
    %swap3A_86 = arith.constant 640 : index
    %swap3A_87 = tpu.vector_load %arg6[%swap3A_86] {strides = array<i32>} : memref<1024xf32, #tpu.memory_space<vmem>>, vector<16xf32>,
    tpu.vector_store %arg6[%swap3A_86], %gather3A {strides = array<i32>} : memref<1024xf32, #tpu.memory_space<vmem>>, vector<16xf32>,
    %swap3A_88 = arith.constant 656 : index
    %swap3A_89 = tpu.vector_load %arg6[%swap3A_88] {strides = array<i32>} : memref<1024xf32, #tpu.memory_space<vmem>>, vector<16xf32>,
    tpu.vector_store %arg6[%swap3A_88], %gather3A {strides = array<i32>} : memref<1024xf32, #tpu.memory_space<vmem>>, vector<16xf32>,
    %swap3A_90 = arith.constant 672 : index
    %swap3A_91 = tpu.vector_load %arg6[%swap3A_90] {strides = array<i32>} : memref<1024xf32, #tpu.memory_space<vmem>>, vector<16xf32>,
    tpu.vector_store %arg6[%swap3A_90], %gather3A {strides = array<i32>} : memref<1024xf32, #tpu.memory_space<vmem>>, vector<16xf32>,
    %swap3A_92 = arith.constant 688 : index
    %swap3A_93 = tpu.vector_load %arg6[%swap3A_92] {strides = array<i32>} : memref<1024xf32, #tpu.memory_space<vmem>>, vector<16xf32>,
    tpu.vector_store %arg6[%swap3A_92], %gather3A {strides = array<i32>} : memref<1024xf32, #tpu.memory_space<vmem>>, vector<16xf32>,
    %swap3A_94 = arith.constant 704 : index
    %swap3A_95 = tpu.vector_load %arg6[%swap3A_94] {strides = array<i32>} : memref<1024xf32, #tpu.memory_space<vmem>>, vector<16xf32>,
    tpu.vector_store %arg6[%swap3A_94], %gather3A {strides = array<i32>} : memref<1024xf32, #tpu.memory_space<vmem>>, vector<16xf32>,
    %swap3A_96 = arith.constant 720 : index
    %swap3A_97 = tpu.vector_load %arg6[%swap3A_96] {strides = array<i32>} : memref<1024xf32, #tpu.memory_space<vmem>>, vector<16xf32>,
    tpu.vector_store %arg6[%swap3A_96], %gather3A {strides = array<i32>} : memref<1024xf32, #tpu.memory_space<vmem>>, vector<16xf32>,
    %swap3A_98 = arith.constant 736 : index
    %swap3A_99 = tpu.vector_load %arg6[%swap3A_98] {strides = array<i32>} : memref<1024xf32, #tpu.memory_space<vmem>>, vector<16xf32>,
    tpu.vector_store %arg6[%swap3A_98], %gather3A {strides = array<i32>} : memref<1024xf32, #tpu.memory_space<vmem>>, vector<16xf32>,
    %swap3A_100 = arith.constant 752 : index
    %swap3A_101 = tpu.vector_load %arg6[%swap3A_100] {strides = array<i32>} : memref<1024xf32, #tpu.memory_space<vmem>>, vector<16xf32>,
    tpu.vector_store %arg6[%swap3A_100], %gather3A {strides = array<i32>} : memref<1024xf32, #tpu.memory_space<vmem>>, vector<16xf32>,
    %swap3A_102 = arith.constant 768 : index
    %swap3A_103 = tpu.vector_load %arg6[%swap3A_102] {strides = array<i32>} : memref<1024xf32, #tpu.memory_space<vmem>>, vector<16xf32>,
    tpu.vector_store %arg6[%swap3A_102], %gather3A {strides = array<i32>} : memref<1024xf32, #tpu.memory_space<vmem>>, vector<16xf32>,
    %swap3A_104 = arith.constant 784 : index
    %swap3A_105 = tpu.vector_load %arg6[%swap3A_104] {strides = array<i32>} : memref<1024xf32, #tpu.memory_space<vmem>>, vector<16xf32>,
    tpu.vector_store %arg6[%swap3A_104], %gather3A {strides = array<i32>} : memref<1024xf32, #tpu.memory_space<vmem>>, vector<16xf32>,
    %swap3A_106 = arith.constant 800 : index
    %swap3A_107 = tpu.vector_load %arg6[%swap3A_106] {strides = array<i32>} : memref<1024xf32, #tpu.memory_space<vmem>>, vector<16xf32>,
    tpu.vector_store %arg6[%swap3A_106], %gather3A {strides = array<i32>} : memref<1024xf32, #tpu.memory_space<vmem>>, vector<16xf32>,
    %swap3A_108 = arith.constant 816 : index
    %swap3A_109 = tpu.vector_load %arg6[%swap3A_108] {strides = array<i32>} : memref<1024xf32, #tpu.memory_space<vmem>>, vector<16xf32>,
    tpu.vector_store %arg6[%swap3A_108], %gather3A {strides = array<i32>} : memref<1024xf32, #tpu.memory_space<vmem>>, vector<16xf32>,
    %swap3A_110 = arith.constant 832 : index
    %swap3A_111 = tpu.vector_load %arg6[%swap3A_110] {strides = array<i32>} : memref<1024xf32, #tpu.memory_space<vmem>>, vector<16xf32>,
    tpu.vector_store %arg6[%swap3A_110], %gather3A {strides = array<i32>} : memref<1024xf32, #tpu.memory_space<vmem>>, vector<16xf32>,
    %swap3A_112 = arith.constant 848 : index
    %swap3A_113 = tpu.vector_load %arg6[%swap3A_112] {strides = array<i32>} : memref<1024xf32, #tpu.memory_space<vmem>>, vector<16xf32>,
    tpu.vector_store %arg6[%swap3A_112], %gather3A {strides = array<i32>} : memref<1024xf32, #tpu.memory_space<vmem>>, vector<16xf32>,
    %swap3A_114 = arith.constant 864 : index
    %swap3A_115 = tpu.vector_load %arg6[%swap3A_114] {strides = array<i32>} : memref<1024xf32, #tpu.memory_space<vmem>>, vector<16xf32>,
    tpu.vector_store %arg6[%swap3A_114], %gather3A {strides = array<i32>} : memref<1024xf32, #tpu.memory_space<vmem>>, vector<16xf32>,
    %swap3A_116 = arith.constant 880 : index
    %swap3A_117 = tpu.vector_load %arg6[%swap3A_116] {strides = array<i32>} : memref<1024xf32, #tpu.memory_space<vmem>>, vector<16xf32>,
    tpu.vector_store %arg6[%swap3A_116], %gather3A {strides = array<i32>} : memref<1024xf32, #tpu.memory_space<vmem>>, vector<16xf32>,
    %swap3A_118 = arith.constant 896 : index
    %swap3A_119 = tpu.vector_load %arg6[%swap3A_118] {strides = array<i32>} : memref<1024xf32, #tpu.memory_space<vmem>>, vector<16xf32>,
    tpu.vector_store %arg6[%swap3A_118], %gather3A {strides = array<i32>} : memref<1024xf32, #tpu.memory_space<vmem>>, vector<16xf32>,
    %swap3A_120 = arith.constant 912 : index
    %swap3A_121 = tpu.vector_load %arg6[%swap3A_120] {strides = array<i32>} : memref<1024xf32, #tpu.memory_space<vmem>>, vector<16xf32>,
    tpu.vector_store %arg6[%swap3A_120], %gather3A {strides = array<i32>} : memref<1024xf32, #tpu.memory_space<vmem>>, vector<16xf32>,
    %swap3A_122 = arith.constant 928 : index
    %swap3A_123 = tpu.vector_load %arg6[%swap3A_122] {strides = array<i32>} : memref<1024xf32, #tpu.memory_space<vmem>>, vector<16xf32>,
    tpu.vector_store %arg6[%swap3A_122], %gather3A {strides = array<i32>} : memref<1024xf32, #tpu.memory_space<vmem>>, vector<16xf32>,
    %swap3A_124 = arith.constant 944 : index
    %swap3A_125 = tpu.vector_load %arg6[%swap3A_124] {strides = array<i32>} : memref<1024xf32, #tpu.memory_space<vmem>>, vector<16xf32>,
    tpu.vector_store %arg6[%swap3A_124], %gather3A {strides = array<i32>} : memref<1024xf32, #tpu.memory_space<vmem>>, vector<16xf32>,
    %swap3A_126 = arith.constant 960 : index
    %swap3A_127 = tpu.vector_load %arg6[%swap3A_126] {strides = array<i32>} : memref<1024xf32, #tpu.memory_space<vmem>>, vector<16xf32>,
    tpu.vector_store %arg6[%swap3A_126], %gather3A {strides = array<i32>} : memref<1024xf32, #tpu.memory_space<vmem>>, vector<16xf32>,
    %swap3A_128 = arith.constant 976 : index
    %swap3A_129 = tpu.vector_load %arg6[%swap3A_128] {strides = array<i32>} : memref<1024xf32, #tpu.memory_space<vmem>>, vector<16xf32>,
    tpu.vector_store %arg6[%swap3A_128], %gather3A {strides = array<i32>} : memref<1024xf32, #tpu.memory_space<vmem>>, vector<16xf32>,
    %swap3A_130 = arith.constant 992 : index
    %swap3A_131 = tpu.vector_load %arg6[%swap3A_130] {strides = array<i32>} : memref<1024xf32, #tpu.memory_space<vmem>>, vector<16xf32>,
    tpu.vector_store %arg6[%swap3A_130], %gather3A {strides = array<i32>} : memref<1024xf32, #tpu.memory_space<vmem>>, vector<16xf32>,
    %swap3A_132 = arith.constant 1008 : index
    %swap3A_133 = tpu.vector_load %arg6[%swap3A_132] {strides = array<i32>} : memref<1024xf32, #tpu.memory_space<vmem>>, vector<16xf32>,
    tpu.vector_store %arg6[%swap3A_132], %gather3A {strides = array<i32>} : memref<1024xf32, #tpu.memory_space<vmem>>, vector<16xf32>,
    %dma_start3A = tpu.memref_slice %arg3[%mul3A_2] : memref<16384xf32, #tpu.memory_space<hbm>> -> memref<1024xf32, #tpu.memory_space<hbm>>
    %dma_start3A_134 = tpu.memref_slice %arg3[%mul3A_2] : memref<16384xf32, #tpu.memory_space<hbm>> -> memref<1024xf32, #tpu.memory_space<hbm>>
    tpu.enqueue_dma source(%arg6 : memref<1024xf32, #tpu.memory_space<vmem>>) target(%dma_start3A_134 : memref<1024xf32, #tpu.memory_space<hbm>>) target_semaphore(%arg8 : memref<!tpu.dma_semaphore, #tpu.memory_space<semaphore_mem>>)
    %swap3A_135 = arith.constant 0 : index
    %swap3A_136 = tpu.vector_load %arg7[%swap3A_135] {strides = array<i32>} : memref<1024xf32, #tpu.memory_space<vmem>>, vector<16xf32>,
    tpu.vector_store %arg7[%swap3A_135], %gather3A_6 {strides = array<i32>} : memref<1024xf32, #tpu.memory_space<vmem>>, vector<16xf32>,
    %swap3A_137 = arith.constant 16 : index
    %swap3A_138 = tpu.vector_load %arg7[%swap3A_137] {strides = array<i32>} : memref<1024xf32, #tpu.memory_space<vmem>>, vector<16xf32>,
    tpu.vector_store %arg7[%swap3A_137], %gather3A_6 {strides = array<i32>} : memref<1024xf32, #tpu.memory_space<vmem>>, vector<16xf32>,
    %swap3A_139 = arith.constant 32 : index
    %swap3A_140 = tpu.vector_load %arg7[%swap3A_139] {strides = array<i32>} : memref<1024xf32, #tpu.memory_space<vmem>>, vector<16xf32>,
    tpu.vector_store %arg7[%swap3A_139], %gather3A_6 {strides = array<i32>} : memref<1024xf32, #tpu.memory_space<vmem>>, vector<16xf32>,
    %swap3A_141 = arith.constant 48 : index
    %swap3A_142 = tpu.vector_load %arg7[%swap3A_141] {strides = array<i32>} : memref<1024xf32, #tpu.memory_space<vmem>>, vector<16xf32>,
    tpu.vector_store %arg7[%swap3A_141], %gather3A_6 {strides = array<i32>} : memref<1024xf32, #tpu.memory_space<vmem>>, vector<16xf32>,
    %swap3A_143 = arith.constant 64 : index
    %swap3A_144 = tpu.vector_load %arg7[%swap3A_143] {strides = array<i32>} : memref<1024xf32, #tpu.memory_space<vmem>>, vector<16xf32>,
    tpu.vector_store %arg7[%swap3A_143], %gather3A_6 {strides = array<i32>} : memref<1024xf32, #tpu.memory_space<vmem>>, vector<16xf32>,
    %swap3A_145 = arith.constant 80 : index
    %swap3A_146 = tpu.vector_load %arg7[%swap3A_145] {strides = array<i32>} : memref<1024xf32, #tpu.memory_space<vmem>>, vector<16xf32>,
    tpu.vector_store %arg7[%swap3A_145], %gather3A_6 {strides = array<i32>} : memref<1024xf32, #tpu.memory_space<vmem>>, vector<16xf32>,
    %swap3A_147 = arith.constant 96 : index
    %swap3A_148 = tpu.vector_load %arg7[%swap3A_147] {strides = array<i32>} : memref<1024xf32, #tpu.memory_space<vmem>>, vector<16xf32>,
    tpu.vector_store %arg7[%swap3A_147], %gather3A_6 {strides = array<i32>} : memref<1024xf32, #tpu.memory_space<vmem>>, vector<16xf32>,
    %swap3A_149 = arith.constant 112 : index
    %swap3A_150 = tpu.vector_load %arg7[%swap3A_149] {strides = array<i32>} : memref<1024xf32, #tpu.memory_space<vmem>>, vector<16xf32>,
    tpu.vector_store %arg7[%swap3A_149], %gather3A_6 {strides = array<i32>} : memref<1024xf32, #tpu.memory_space<vmem>>, vector<16xf32>,
    %swap3A_151 = arith.constant 128 : index
    %swap3A_152 = tpu.vector_load %arg7[%swap3A_151] {strides = array<i32>} : memref<1024xf32, #tpu.memory_space<vmem>>, vector<16xf32>,
    tpu.vector_store %arg7[%swap3A_151], %gather3A_6 {strides = array<i32>} : memref<1024xf32, #tpu.memory_space<vmem>>, vector<16xf32>,
    %swap3A_153 = arith.constant 144 : index
    %swap3A_154 = tpu.vector_load %arg7[%swap3A_153] {strides = array<i32>} : memref<1024xf32, #tpu.memory_space<vmem>>, vector<16xf32>,
    tpu.vector_store %arg7[%swap3A_153], %gather3A_6 {strides = array<i32>} : memref<1024xf32, #tpu.memory_space<vmem>>, vector<16xf32>,
    %swap3A_155 = arith.constant 160 : index
    %swap3A_156 = tpu.vector_load %arg7[%swap3A_155] {strides = array<i32>} : memref<1024xf32, #tpu.memory_space<vmem>>, vector<16xf32>,
    tpu.vector_store %arg7[%swap3A_155], %gather3A_6 {strides = array<i32>} : memref<1024xf32, #tpu.memory_space<vmem>>, vector<16xf32>,
    %swap3A_157 = arith.constant 176 : index
    %swap3A_158 = tpu.vector_load %arg7[%swap3A_157] {strides = array<i32>} : memref<1024xf32, #tpu.memory_space<vmem>>, vector<16xf32>,
    tpu.vector_store %arg7[%swap3A_157], %gather3A_6 {strides = array<i32>} : memref<1024xf32, #tpu.memory_space<vmem>>, vector<16xf32>,
    %swap3A_159 = arith.constant 192 : index
    %swap3A_160 = tpu.vector_load %arg7[%swap3A_159] {strides = array<i32>} : memref<1024xf32, #tpu.memory_space<vmem>>, vector<16xf32>,
    tpu.vector_store %arg7[%swap3A_159], %gather3A_6 {strides = array<i32>} : memref<1024xf32, #tpu.memory_space<vmem>>, vector<16xf32>,
    %swap3A_161 = arith.constant 208 : index
    %swap3A_162 = tpu.vector_load %arg7[%swap3A_161] {strides = array<i32>} : memref<1024xf32, #tpu.memory_space<vmem>>, vector<16xf32>,
    tpu.vector_store %arg7[%swap3A_161], %gather3A_6 {strides = array<i32>} : memref<1024xf32, #tpu.memory_space<vmem>>, vector<16xf32>,
    %swap3A_163 = arith.constant 224 : index
    %swap3A_164 = tpu.vector_load %arg7[%swap3A_163] {strides = array<i32>} : memref<1024xf32, #tpu.memory_space<vmem>>, vector<16xf32>,
    tpu.vector_store %arg7[%swap3A_163], %gather3A_6 {strides = array<i32>} : memref<1024xf32, #tpu.memory_space<vmem>>, vector<16xf32>,
    %swap3A_165 = arith.constant 240 : index
    %swap3A_166 = tpu.vector_load %arg7[%swap3A_165] {strides = array<i32>} : memref<1024xf32, #tpu.memory_space<vmem>>, vector<16xf32>,
    tpu.vector_store %arg7[%swap3A_165], %gather3A_6 {strides = array<i32>} : memref<1024xf32, #tpu.memory_space<vmem>>, vector<16xf32>,
    %swap3A_167 = arith.constant 256 : index
    %swap3A_168 = tpu.vector_load %arg7[%swap3A_167] {strides = array<i32>} : memref<1024xf32, #tpu.memory_space<vmem>>, vector<16xf32>,
    tpu.vector_store %arg7[%swap3A_167], %gather3A_6 {strides = array<i32>} : memref<1024xf32, #tpu.memory_space<vmem>>, vector<16xf32>,
    %swap3A_169 = arith.constant 272 : index
    %swap3A_170 = tpu.vector_load %arg7[%swap3A_169] {strides = array<i32>} : memref<1024xf32, #tpu.memory_space<vmem>>, vector<16xf32>,
    tpu.vector_store %arg7[%swap3A_169], %gather3A_6 {strides = array<i32>} : memref<1024xf32, #tpu.memory_space<vmem>>, vector<16xf32>,
    %swap3A_171 = arith.constant 288 : index
    %swap3A_172 = tpu.vector_load %arg7[%swap3A_171] {strides = array<i32>} : memref<1024xf32, #tpu.memory_space<vmem>>, vector<16xf32>,
    tpu.vector_store %arg7[%swap3A_171], %gather3A_6 {strides = array<i32>} : memref<1024xf32, #tpu.memory_space<vmem>>, vector<16xf32>,
    %swap3A_173 = arith.constant 304 : index
    %swap3A_174 = tpu.vector_load %arg7[%swap3A_173] {strides = array<i32>} : memref<1024xf32, #tpu.memory_space<vmem>>, vector<16xf32>,
    tpu.vector_store %arg7[%swap3A_173], %gather3A_6 {strides = array<i32>} : memref<1024xf32, #tpu.memory_space<vmem>>, vector<16xf32>,
    %swap3A_175 = arith.constant 320 : index
    %swap3A_176 = tpu.vector_load %arg7[%swap3A_175] {strides = array<i32>} : memref<1024xf32, #tpu.memory_space<vmem>>, vector<16xf32>,
    tpu.vector_store %arg7[%swap3A_175], %gather3A_6 {strides = array<i32>} : memref<1024xf32, #tpu.memory_space<vmem>>, vector<16xf32>,
    %swap3A_177 = arith.constant 336 : index
    %swap3A_178 = tpu.vector_load %arg7[%swap3A_177] {strides = array<i32>} : memref<1024xf32, #tpu.memory_space<vmem>>, vector<16xf32>,
    tpu.vector_store %arg7[%swap3A_177], %gather3A_6 {strides = array<i32>} : memref<1024xf32, #tpu.memory_space<vmem>>, vector<16xf32>,
    %swap3A_179 = arith.constant 352 : index
    %swap3A_180 = tpu.vector_load %arg7[%swap3A_179] {strides = array<i32>} : memref<1024xf32, #tpu.memory_space<vmem>>, vector<16xf32>,
    tpu.vector_store %arg7[%swap3A_179], %gather3A_6 {strides = array<i32>} : memref<1024xf32, #tpu.memory_space<vmem>>, vector<16xf32>,
    %swap3A_181 = arith.constant 368 : index
    %swap3A_182 = tpu.vector_load %arg7[%swap3A_181] {strides = array<i32>} : memref<1024xf32, #tpu.memory_space<vmem>>, vector<16xf32>,
    tpu.vector_store %arg7[%swap3A_181], %gather3A_6 {strides = array<i32>} : memref<1024xf32, #tpu.memory_space<vmem>>, vector<16xf32>,
    %swap3A_183 = arith.constant 384 : index
    %swap3A_184 = tpu.vector_load %arg7[%swap3A_183] {strides = array<i32>} : memref<1024xf32, #tpu.memory_space<vmem>>, vector<16xf32>,
    tpu.vector_store %arg7[%swap3A_183], %gather3A_6 {strides = array<i32>} : memref<1024xf32, #tpu.memory_space<vmem>>, vector<16xf32>,
    %swap3A_185 = arith.constant 400 : index
    %swap3A_186 = tpu.vector_load %arg7[%swap3A_185] {strides = array<i32>} : memref<1024xf32, #tpu.memory_space<vmem>>, vector<16xf32>,
    tpu.vector_store %arg7[%swap3A_185], %gather3A_6 {strides = array<i32>} : memref<1024xf32, #tpu.memory_space<vmem>>, vector<16xf32>,
    %swap3A_187 = arith.constant 416 : index
    %swap3A_188 = tpu.vector_load %arg7[%swap3A_187] {strides = array<i32>} : memref<1024xf32, #tpu.memory_space<vmem>>, vector<16xf32>,
    tpu.vector_store %arg7[%swap3A_187], %gather3A_6 {strides = array<i32>} : memref<1024xf32, #tpu.memory_space<vmem>>, vector<16xf32>,
    %swap3A_189 = arith.constant 432 : index
    %swap3A_190 = tpu.vector_load %arg7[%swap3A_189] {strides = array<i32>} : memref<1024xf32, #tpu.memory_space<vmem>>, vector<16xf32>,
    tpu.vector_store %arg7[%swap3A_189], %gather3A_6 {strides = array<i32>} : memref<1024xf32, #tpu.memory_space<vmem>>, vector<16xf32>,
    %swap3A_191 = arith.constant 448 : index
    %swap3A_192 = tpu.vector_load %arg7[%swap3A_191] {strides = array<i32>} : memref<1024xf32, #tpu.memory_space<vmem>>, vector<16xf32>,
    tpu.vector_store %arg7[%swap3A_191], %gather3A_6 {strides = array<i32>} : memref<1024xf32, #tpu.memory_space<vmem>>, vector<16xf32>,
    %swap3A_193 = arith.constant 464 : index
    %swap3A_194 = tpu.vector_load %arg7[%swap3A_193] {strides = array<i32>} : memref<1024xf32, #tpu.memory_space<vmem>>, vector<16xf32>,
    tpu.vector_store %arg7[%swap3A_193], %gather3A_6 {strides = array<i32>} : memref<1024xf32, #tpu.memory_space<vmem>>, vector<16xf32>,
    %swap3A_195 = arith.constant 480 : index
    %swap3A_196 = tpu.vector_load %arg7[%swap3A_195] {strides = array<i32>} : memref<1024xf32, #tpu.memory_space<vmem>>, vector<16xf32>,
    tpu.vector_store %arg7[%swap3A_195], %gather3A_6 {strides = array<i32>} : memref<1024xf32, #tpu.memory_space<vmem>>, vector<16xf32>,
    %swap3A_197 = arith.constant 496 : index
    %swap3A_198 = tpu.vector_load %arg7[%swap3A_197] {strides = array<i32>} : memref<1024xf32, #tpu.memory_space<vmem>>, vector<16xf32>,
    tpu.vector_store %arg7[%swap3A_197], %gather3A_6 {strides = array<i32>} : memref<1024xf32, #tpu.memory_space<vmem>>, vector<16xf32>,
    %swap3A_199 = arith.constant 512 : index
    %swap3A_200 = tpu.vector_load %arg7[%swap3A_199] {strides = array<i32>} : memref<1024xf32, #tpu.memory_space<vmem>>, vector<16xf32>,
    tpu.vector_store %arg7[%swap3A_199], %gather3A_6 {strides = array<i32>} : memref<1024xf32, #tpu.memory_space<vmem>>, vector<16xf32>,
    %swap3A_201 = arith.constant 528 : index
    %swap3A_202 = tpu.vector_load %arg7[%swap3A_201] {strides = array<i32>} : memref<1024xf32, #tpu.memory_space<vmem>>, vector<16xf32>,
    tpu.vector_store %arg7[%swap3A_201], %gather3A_6 {strides = array<i32>} : memref<1024xf32, #tpu.memory_space<vmem>>, vector<16xf32>,
    %swap3A_203 = arith.constant 544 : index
    %swap3A_204 = tpu.vector_load %arg7[%swap3A_203] {strides = array<i32>} : memref<1024xf32, #tpu.memory_space<vmem>>, vector<16xf32>,
    tpu.vector_store %arg7[%swap3A_203], %gather3A_6 {strides = array<i32>} : memref<1024xf32, #tpu.memory_space<vmem>>, vector<16xf32>,
    %swap3A_205 = arith.constant 560 : index
    %swap3A_206 = tpu.vector_load %arg7[%swap3A_205] {strides = array<i32>} : memref<1024xf32, #tpu.memory_space<vmem>>, vector<16xf32>,
    tpu.vector_store %arg7[%swap3A_205], %gather3A_6 {strides = array<i32>} : memref<1024xf32, #tpu.memory_space<vmem>>, vector<16xf32>,
    %swap3A_207 = arith.constant 576 : index
    %swap3A_208 = tpu.vector_load %arg7[%swap3A_207] {strides = array<i32>} : memref<1024xf32, #tpu.memory_space<vmem>>, vector<16xf32>,
    tpu.vector_store %arg7[%swap3A_207], %gather3A_6 {strides = array<i32>} : memref<1024xf32, #tpu.memory_space<vmem>>, vector<16xf32>,
    %swap3A_209 = arith.constant 592 : index
    %swap3A_210 = tpu.vector_load %arg7[%swap3A_209] {strides = array<i32>} : memref<1024xf32, #tpu.memory_space<vmem>>, vector<16xf32>,
    tpu.vector_store %arg7[%swap3A_209], %gather3A_6 {strides = array<i32>} : memref<1024xf32, #tpu.memory_space<vmem>>, vector<16xf32>,
    %swap3A_211 = arith.constant 608 : index
    %swap3A_212 = tpu.vector_load %arg7[%swap3A_211] {strides = array<i32>} : memref<1024xf32, #tpu.memory_space<vmem>>, vector<16xf32>,
    tpu.vector_store %arg7[%swap3A_211], %gather3A_6 {strides = array<i32>} : memref<1024xf32, #tpu.memory_space<vmem>>, vector<16xf32>,
    %swap3A_213 = arith.constant 624 : index
    %swap3A_214 = tpu.vector_load %arg7[%swap3A_213] {strides = array<i32>} : memref<1024xf32, #tpu.memory_space<vmem>>, vector<16xf32>,
    tpu.vector_store %arg7[%swap3A_213], %gather3A_6 {strides = array<i32>} : memref<1024xf32, #tpu.memory_space<vmem>>, vector<16xf32>,
    %swap3A_215 = arith.constant 640 : index
    %swap3A_216 = tpu.vector_load %arg7[%swap3A_215] {strides = array<i32>} : memref<1024xf32, #tpu.memory_space<vmem>>, vector<16xf32>,
    tpu.vector_store %arg7[%swap3A_215], %gather3A_6 {strides = array<i32>} : memref<1024xf32, #tpu.memory_space<vmem>>, vector<16xf32>,
    %swap3A_217 = arith.constant 656 : index
    %swap3A_218 = tpu.vector_load %arg7[%swap3A_217] {strides = array<i32>} : memref<1024xf32, #tpu.memory_space<vmem>>, vector<16xf32>,
    tpu.vector_store %arg7[%swap3A_217], %gather3A_6 {strides = array<i32>} : memref<1024xf32, #tpu.memory_space<vmem>>, vector<16xf32>,
    %swap3A_219 = arith.constant 672 : index
    %swap3A_220 = tpu.vector_load %arg7[%swap3A_219] {strides = array<i32>} : memref<1024xf32, #tpu.memory_space<vmem>>, vector<16xf32>,
    tpu.vector_store %arg7[%swap3A_219], %gather3A_6 {strides = array<i32>} : memref<1024xf32, #tpu.memory_space<vmem>>, vector<16xf32>,
    %swap3A_221 = arith.constant 688 : index
    %swap3A_222 = tpu.vector_load %arg7[%swap3A_221] {strides = array<i32>} : memref<1024xf32, #tpu.memory_space<vmem>>, vector<16xf32>,
    tpu.vector_store %arg7[%swap3A_221], %gather3A_6 {strides = array<i32>} : memref<1024xf32, #tpu.memory_space<vmem>>, vector<16xf32>,
    %swap3A_223 = arith.constant 704 : index
    %swap3A_224 = tpu.vector_load %arg7[%swap3A_223] {strides = array<i32>} : memref<1024xf32, #tpu.memory_space<vmem>>, vector<16xf32>,
    tpu.vector_store %arg7[%swap3A_223], %gather3A_6 {strides = array<i32>} : memref<1024xf32, #tpu.memory_space<vmem>>, vector<16xf32>,
    %swap3A_225 = arith.constant 720 : index
    %swap3A_226 = tpu.vector_load %arg7[%swap3A_225] {strides = array<i32>} : memref<1024xf32, #tpu.memory_space<vmem>>, vector<16xf32>,
    tpu.vector_store %arg7[%swap3A_225], %gather3A_6 {strides = array<i32>} : memref<1024xf32, #tpu.memory_space<vmem>>, vector<16xf32>,
    %swap3A_227 = arith.constant 736 : index
    %swap3A_228 = tpu.vector_load %arg7[%swap3A_227] {strides = array<i32>} : memref<1024xf32, #tpu.memory_space<vmem>>, vector<16xf32>,
    tpu.vector_store %arg7[%swap3A_227], %gather3A_6 {strides = array<i32>} : memref<1024xf32, #tpu.memory_space<vmem>>, vector<16xf32>,
    %swap3A_229 = arith.constant 752 : index
    %swap3A_230 = tpu.vector_load %arg7[%swap3A_229] {strides = array<i32>} : memref<1024xf32, #tpu.memory_space<vmem>>, vector<16xf32>,
    tpu.vector_store %arg7[%swap3A_229], %gather3A_6 {strides = array<i32>} : memref<1024xf32, #tpu.memory_space<vmem>>, vector<16xf32>,
    %swap3A_231 = arith.constant 768 : index
    %swap3A_232 = tpu.vector_load %arg7[%swap3A_231] {strides = array<i32>} : memref<1024xf32, #tpu.memory_space<vmem>>, vector<16xf32>,
    tpu.vector_store %arg7[%swap3A_231], %gather3A_6 {strides = array<i32>} : memref<1024xf32, #tpu.memory_space<vmem>>, vector<16xf32>,
    %swap3A_233 = arith.constant 784 : index
    %swap3A_234 = tpu.vector_load %arg7[%swap3A_233] {strides = array<i32>} : memref<1024xf32, #tpu.memory_space<vmem>>, vector<16xf32>,
    tpu.vector_store %arg7[%swap3A_233], %gather3A_6 {strides = array<i32>} : memref<1024xf32, #tpu.memory_space<vmem>>, vector<16xf32>,
    %swap3A_235 = arith.constant 800 : index
    %swap3A_236 = tpu.vector_load %arg7[%swap3A_235] {strides = array<i32>} : memref<1024xf32, #tpu.memory_space<vmem>>, vector<16xf32>,
    tpu.vector_store %arg7[%swap3A_235], %gather3A_6 {strides = array<i32>} : memref<1024xf32, #tpu.memory_space<vmem>>, vector<16xf32>,
    %swap3A_237 = arith.constant 816 : index
    %swap3A_238 = tpu.vector_load %arg7[%swap3A_237] {strides = array<i32>} : memref<1024xf32, #tpu.memory_space<vmem>>, vector<16xf32>,
    tpu.vector_store %arg7[%swap3A_237], %gather3A_6 {strides = array<i32>} : memref<1024xf32, #tpu.memory_space<vmem>>, vector<16xf32>,
    %swap3A_239 = arith.constant 832 : index
    %swap3A_240 = tpu.vector_load %arg7[%swap3A_239] {strides = array<i32>} : memref<1024xf32, #tpu.memory_space<vmem>>, vector<16xf32>,
    tpu.vector_store %arg7[%swap3A_239], %gather3A_6 {strides = array<i32>} : memref<1024xf32, #tpu.memory_space<vmem>>, vector<16xf32>,
    %swap3A_241 = arith.constant 848 : index
    %swap3A_242 = tpu.vector_load %arg7[%swap3A_241] {strides = array<i32>} : memref<1024xf32, #tpu.memory_space<vmem>>, vector<16xf32>,
    tpu.vector_store %arg7[%swap3A_241], %gather3A_6 {strides = array<i32>} : memref<1024xf32, #tpu.memory_space<vmem>>, vector<16xf32>,
    %swap3A_243 = arith.constant 864 : index
    %swap3A_244 = tpu.vector_load %arg7[%swap3A_243] {strides = array<i32>} : memref<1024xf32, #tpu.memory_space<vmem>>, vector<16xf32>,
    tpu.vector_store %arg7[%swap3A_243], %gather3A_6 {strides = array<i32>} : memref<1024xf32, #tpu.memory_space<vmem>>, vector<16xf32>,
    %swap3A_245 = arith.constant 880 : index
    %swap3A_246 = tpu.vector_load %arg7[%swap3A_245] {strides = array<i32>} : memref<1024xf32, #tpu.memory_space<vmem>>, vector<16xf32>,
    tpu.vector_store %arg7[%swap3A_245], %gather3A_6 {strides = array<i32>} : memref<1024xf32, #tpu.memory_space<vmem>>, vector<16xf32>,
    %swap3A_247 = arith.constant 896 : index
    %swap3A_248 = tpu.vector_load %arg7[%swap3A_247] {strides = array<i32>} : memref<1024xf32, #tpu.memory_space<vmem>>, vector<16xf32>,
    tpu.vector_store %arg7[%swap3A_247], %gather3A_6 {strides = array<i32>} : memref<1024xf32, #tpu.memory_space<vmem>>, vector<16xf32>,
    %swap3A_249 = arith.constant 912 : index
    %swap3A_250 = tpu.vector_load %arg7[%swap3A_249] {strides = array<i32>} : memref<1024xf32, #tpu.memory_space<vmem>>, vector<16xf32>,
    tpu.vector_store %arg7[%swap3A_249], %gather3A_6 {strides = array<i32>} : memref<1024xf32, #tpu.memory_space<vmem>>, vector<16xf32>,
    %swap3A_251 = arith.constant 928 : index
    %swap3A_252 = tpu.vector_load %arg7[%swap3A_251] {strides = array<i32>} : memref<1024xf32, #tpu.memory_space<vmem>>, vector<16xf32>,
    tpu.vector_store %arg7[%swap3A_251], %gather3A_6 {strides = array<i32>} : memref<1024xf32, #tpu.memory_space<vmem>>, vector<16xf32>,
    %swap3A_253 = arith.constant 944 : index
    %swap3A_254 = tpu.vector_load %arg7[%swap3A_253] {strides = array<i32>} : memref<1024xf32, #tpu.memory_space<vmem>>, vector<16xf32>,
    tpu.vector_store %arg7[%swap3A_253], %gather3A_6 {strides = array<i32>} : memref<1024xf32, #tpu.memory_space<vmem>>, vector<16xf32>,
    %swap3A_255 = arith.constant 960 : index
    %swap3A_256 = tpu.vector_load %arg7[%swap3A_255] {strides = array<i32>} : memref<1024xf32, #tpu.memory_space<vmem>>, vector<16xf32>,
    tpu.vector_store %arg7[%swap3A_255], %gather3A_6 {strides = array<i32>} : memref<1024xf32, #tpu.memory_space<vmem>>, vector<16xf32>,
    %swap3A_257 = arith.constant 976 : index
    %swap3A_258 = tpu.vector_load %arg7[%swap3A_257] {strides = array<i32>} : memref<1024xf32, #tpu.memory_space<vmem>>, vector<16xf32>,
    tpu.vector_store %arg7[%swap3A_257], %gather3A_6 {strides = array<i32>} : memref<1024xf32, #tpu.memory_space<vmem>>, vector<16xf32>,
    %swap3A_259 = arith.constant 992 : index
    %swap3A_260 = tpu.vector_load %arg7[%swap3A_259] {strides = array<i32>} : memref<1024xf32, #tpu.memory_space<vmem>>, vector<16xf32>,
    tpu.vector_store %arg7[%swap3A_259], %gather3A_6 {strides = array<i32>} : memref<1024xf32, #tpu.memory_space<vmem>>, vector<16xf32>,
    %swap3A_261 = arith.constant 1008 : index
    %swap3A_262 = tpu.vector_load %arg7[%swap3A_261] {strides = array<i32>} : memref<1024xf32, #tpu.memory_space<vmem>>, vector<16xf32>,
    tpu.vector_store %arg7[%swap3A_261], %gather3A_6 {strides = array<i32>} : memref<1024xf32, #tpu.memory_space<vmem>>, vector<16xf32>,
    %dma_start3A_263 = tpu.memref_slice %arg4[%mul3A_2] : memref<16384xf32, #tpu.memory_space<hbm>> -> memref<1024xf32, #tpu.memory_space<hbm>>
    %dma_start3A_264 = tpu.memref_slice %arg4[%mul3A_2] : memref<16384xf32, #tpu.memory_space<hbm>> -> memref<1024xf32, #tpu.memory_space<hbm>>
    tpu.enqueue_dma source(%arg7 : memref<1024xf32, #tpu.memory_space<vmem>>) target(%dma_start3A_264 : memref<1024xf32, #tpu.memory_space<hbm>>) target_semaphore(%arg9 : memref<!tpu.dma_semaphore, #tpu.memory_space<semaphore_mem>>)
    %dma_wait3A = tpu.memref_slice %arg3[%mul3A_2] : memref<16384xf32, #tpu.memory_space<hbm>> -> memref<1024xf32, #tpu.memory_space<hbm>>
    %dma_wait3A_265 = tpu.memref_slice %arg3[%mul3A_2] : memref<16384xf32, #tpu.memory_space<hbm>> -> memref<1024xf32, #tpu.memory_space<hbm>>
    tpu.wait_dma2 semaphore(%arg8 : memref<!tpu.dma_semaphore, #tpu.memory_space<semaphore_mem>>) src(%arg6 : memref<1024xf32, #tpu.memory_space<vmem>>) dst(%dma_wait3A_265 : memref<1024xf32, #tpu.memory_space<hbm>>)
    %dma_wait3A_266 = tpu.memref_slice %arg4[%mul3A_2] : memref<16384xf32, #tpu.memory_space<hbm>> -> memref<1024xf32, #tpu.memory_space<hbm>>
    %dma_wait3A_267 = tpu.memref_slice %arg4[%mul3A_2] : memref<16384xf32, #tpu.memory_space<hbm>> -> memref<1024xf32, #tpu.memory_space<hbm>>
    tpu.wait_dma2 semaphore(%arg9 : memref<!tpu.dma_semaphore, #tpu.memory_space<semaphore_mem>>) src(%arg7 : memref<1024xf32, #tpu.memory_space<vmem>>) dst(%dma_wait3A_267 : memref<1024xf32, #tpu.memory_space<hbm>>)
    return
  }
}

</mosaic_0001>

<sc_bundles>
// kernel: kernel.3.cloned.1.call-start
scs
__scs_entry_jumppad:
0x0: {  	(pc) =	sbr.rel $0x88, $3  }
0x1: {  	(tag) =	ssettag $0x0;
	lr =	simm.s32 $0x1  }
0x2: {  	[smem:$0x3FA0] =	sst lr;
	_ =	strace $0xD0000000  }
0x3: {  	_ = 	snop  }
0x4: {  	_ = 	snop  }
0x5: {  	_ = 	snop  }
0x6: {  	_ = 	snop  }
0x7: {  	_ = 	snop  }
__scs_overlays_trampoline_lowered:
0x8: {  	[smem:$0x3FAF] =	sst s0  }
0x9: {  	[smem:$0x3FB0] =	sst s1  }
0xa: {  	[smem:$0x3FB1] =	sst s2  }
0xb: {  	[smem:$0x3FB2] =	sst s3  }
0xc: {  	[smem:$0x3FB3] =	sst s4  }
0xd: {  	[smem:$0x3FB4] =	sst s5  }
0xe: {  	[smem:$0x3FB5] =	sst s6  }
0xf: {  	[smem:$0x3FB6] =	sst s7  }
0x10: {  	[smem:$0x3FB7] =	sst s8  }
0x11: {  	[smem:$0x3FB8] =	sst s9;
	s0 =	simm.s32 @!p0 $0x0  }
0x12: {  	s1 =	sld [smem:$0x3F9E];
	s0 =	simm.s32 @p0 $0x1  }
0x13: {  	[smem:$0x3FB9] =	sst s0;
	s0 =	simm.s32 @!p1 $0x0  }
0x14: {  	s2 =	sld [smem:$0x3F9D];
	s0 =	simm.s32 @p1 $0x1  }
0x15: {  	[smem:$0x3FBA] =	sst s0;
	s0 =	simm.s32 @!p2 $0x0  }
0x16: {  	s3 =	sld [smem:$0x3FDB];
	s0 =	simm.s32 @p2 $0x1  }
0x17: {  	s4 =	simm.s32 $0x1BF5;
	[smem:$0x3FBC] =	sst s0  }
0x18: {  	s0 =	sld [smem:$0x3F9F];
	_ =	swait.ge [sflag:s4], $0x0  }
0x19: {  	s7 =	sld [smem:$0x3FA0]  }
0x1a: {  	s8 =	sadd.s32 $0xFFFFE003, lr  }
0x1b: {  	s9 =	sadd.s32 $0xFFFFFEF7, lr;
	s5 =	simm.s32 $0xFFFFFFFF;
	p2 =	slt.u32 s8, $0xFFFFF086  }
0x1c: {  	p1 =	slt.u32 s9, $0xF7A;
	s5 =	simm.s32 @!p2 $0x0  }
0x1d: {  	s5 =	simm.s32 @p1 $0x1;
	p0 =	seq.s32 s7, s2  }
0x1e: {  	s7 =	smul.u32 @!p0 $0xF7A, s2;
	p2 =	seq.s32 @!p0 s5, $0x0  }
0x1f: {  	s9 =	smul.u32 $0xF7A, s1;
	s8 =	simm.s32 @!p0 $0x1BF5;
	p2 =	por !p2, p0  }
0x20: {  	[sflag:s8] =	ssyncset.s32 @!p0 $0xFFFFF086;
	s6 =	sadd.s32 @!p0 s3, s7;
	s7 =	simm.s32 @!p0 $0x108  }
0x21: {  	s3 =	sadd.s32 s3, s9;
	s6 =	sadd.s32 @!p0 $0x88, s6;
	s7 =	simm.s32 @p2 $0x1082  }
0x22: {  	[simem:s7], [sflag:s8] =	dma.local @!p0 [hbm:s6], $0xF7A  }
0x23: {  	s9 =	sor.u32 $0xD0000000, s2;
	s6 =	simm.s32 $0x108;
	_ =	swait.ge @!p0 [sflag:s8], $0x0  }
0x24: {  	s3 =	sadd.s32 $0x88, s3;
	s6 =	simm.s32 @!p1 $0x1082;
	[sflag:s4] =	ssyncset.s32 $0xFFFFF086  }
0x25: {  	[simem:s6], [sflag:s4] =	dma.local [hbm:s3], $0xF7A  }
0x26: {  	[smem:$0x3FA0] =	sst s1;
	(tag) =	ssettag s2;
	_ =	strace s9  }
0x27: {  	s1 =	sld [smem:$0x3FB0]  }
0x28: {  	s2 =	sld [smem:$0x3FB1]  }
0x29: {  	s4 =	sld [smem:$0x3FB3]  }
0x2a: {  	p0 =	seq.s32 s5, $0x0;
	s5 =	sld [smem:$0x3FB4]  }
0x2b: {  	s6 =	sld [smem:$0x3FB5]  }
0x2c: {  	s7 =	sld [smem:$0x3FB6]  }
0x2d: {  	s3 =	simm.s32 $0x108;
	s8 =	sld [smem:$0x3FB7]  }
0x2e: {  	s3 =	simm.s32 @!p0 $0x1082;
	s9 =	sld [smem:$0x3FB8]  }
0x2f: {  	lr =	sadd.s32 s0, s3;
	s0 =	sld [smem:$0x3FAF]  }
0x30: {  	s3 =	sld [smem:$0x3FB2]  }
0x31: {  	[smem:$0x3FBB] =	sst s10  }
0x32: {  	s10 =	sld [smem:$0x3FB9];
	_ =	sdelay $0x3  }
0x33: {  	p0 =	seq.s32 s10, $0x1;
	s10 =	sld [smem:$0x3FBB];
	_ =	sdelay $0x3  }
0x34: {  	[smem:$0x3FBB] =	sst s10  }
0x35: {  	s10 =	sld [smem:$0x3FBA];
	_ =	sdelay $0x3  }
0x36: {  	p1 =	seq.s32 s10, $0x1;
	s10 =	sld [smem:$0x3FBB];
	_ =	sdelay $0x3  }
0x37: {  	[smem:$0x3FBB] =	sst s10  }
0x38: {  	s10 =	sld [smem:$0x3FBC]  }
0x39: {  	_ = 	snop;
	(pc) =	sbr.ind lr, $3  }
0x3a: {  	_ = 	snop  }
0x3b: {  	_ = 	snop  }
0x3c: {  	p2 =	seq.s32 s10, $0x1;
	s10 =	sld [smem:$0x3FBB]  }
0x3d: {  	_ =	shalt  }
0x3e: {  	_ =	shalt  }
0x3f: {  	_ =	shalt  }
0x40: {  	_ =	shalt  }
0x41: {  	_ =	shalt  }
0x42: {  	_ =	shalt  }
0x43: {  	_ =	shalt  }
0x44: {  	_ =	shalt  }
0x45: {  	_ =	shalt  }
0x46: {  	_ =	shalt  }
0x47: {  	_ =	shalt  }
0x48: {  	_ =	shalt  }
0x49: {  	_ =	shalt  }
0x4a: {  	_ =	shalt  }
0x4b: {  	_ =	shalt  }
0x4c: {  	_ =	shalt  }
0x4d: {  	_ =	shalt  }
0x4e: {  	_ =	shalt  }
0x4f: {  	_ =	shalt  }
0x50: {  	_ =	shalt  }
0x51: {  	_ =	shalt  }
0x52: {  	_ =	shalt  }
0x53: {  	_ =	shalt  }
0x54: {  	_ =	shalt  }
0x55: {  	_ =	shalt  }
0x56: {  	_ =	shalt  }
0x57: {  	_ =	shalt  }
0x58: {  	_ =	shalt  }
0x59: {  	_ =	shalt  }
0x5a: {  	_ =	shalt  }
0x5b: {  	_ =	shalt  }
0x5c: {  	_ =	shalt  }
0x5d: {  	_ =	shalt  }
0x5e: {  	_ =	shalt  }
0x5f: {  	_ =	shalt  }
0x60: {  	_ =	shalt  }
0x61: {  	_ =	shalt  }
0x62: {  	_ =	shalt  }
0x63: {  	_ =	shalt  }
0x64: {  	_ =	shalt  }
0x65: {  	_ =	shalt  }
0x66: {  	_ =	shalt  }
0x67: {  	_ =	shalt  }
0x68: {  	_ =	shalt  }
0x69: {  	_ =	shalt  }
0x6a: {  	_ =	shalt  }
0x6b: {  	_ =	shalt  }
0x6c: {  	_ =	shalt  }
0x6d: {  	_ =	shalt  }
0x6e: {  	_ =	shalt  }
0x6f: {  	_ =	shalt  }
0x70: {  	_ =	shalt  }
0x71: {  	_ =	shalt  }
0x72: {  	_ =	shalt  }
0x73: {  	_ =	shalt  }
0x74: {  	_ =	shalt  }
0x75: {  	_ =	shalt  }
0x76: {  	_ =	shalt  }
0x77: {  	_ =	shalt  }
0x78: {  	_ =	shalt  }
0x79: {  	_ =	shalt  }
0x7a: {  	_ =	shalt  }
0x7b: {  	_ =	shalt  }
0x7c: {  	_ =	shalt  }
0x7d: {  	_ =	shalt  }
0x7e: {  	_ =	shalt  }
0x7f: {  	_ =	shalt  }
0x80: {  	_ =	shalt  }
0x81: {  	_ =	shalt  }
0x82: {  	_ =	shalt  }
0x83: {  	_ =	shalt  }
0x84: {  	_ =	shalt  }
0x85: {  	_ =	shalt  }
0x86: {  	_ =	shalt  }
0x87: {  	_ =	shalt  }
.Lfunc_end0:
.L_simem_size_0:
called_computation_lowered:
.L_overlay_start_0:
0x88: {  	s0 =	sld [smem:$0x3FD9]  }
0x89: {  	s1 =	sld [smem:$0x3FFE];
	_ =	sdelay $0x3  }
0x8a: {  	s0 =	sadd.s32 s1, s0  }
0x8b: {  	[smem:$0x3FC7] =	sst s0  }
0x8c: {  	_ = 	snop  }
0x8d: {  	s0 =	sld [smem:$0x3FD0];
	_ =	sdelay $0x2  }
0x8e: {  	s2 =	simm.s32 $0xA;
	s3 =	simm.s32 $0x10;
	s14 =	sld [smem:$0x3FC9]  }
0x8f: {  	[smem:s3], [sflag:s2] =	dma.local [hbm:s0], $0x1  }
0x90: {  	_ =	swait.eq [sflag:s2], $0x1  }
0x91: {  	[sflag:s2] =	ssyncset.done $0x0  }
0x92: {  	s15 =	sld [smem:$0x10];
	[sflag:s2] =	ssyncadd.s32 $0xFFFFFFFF  }
0x93: {  	s16 =	sld [smem:$0x11];
	(tm) =	ssettm $0x1  }
0x94: {  	s17 =	sld [smem:$0x3FFB];
	_ =	sdelay $0x3  }
0x95: {  	_ =	strace s17  }
0x96: {  	s3 =	sld [smem:$0x3FFC];
	_ =	sdelay $0x3  }
0x97: {  	_ =	strace s3  }
0x98: {  	s3 =	sld [smem:$0x3FFD];
	_ =	sdelay $0x3  }
0x99: {  	_ =	strace s3  }
0x9a: {  	_ =	strace $0x8FFFFFFF  }
0x9b: {  	s18 =	sld [smem:$0x3FDB];
	_ =	sdelay $0x1  }
0x9c: {  	s4 =	simm.s32 $_scs_section_size  }
0x9d: {  	s5 =	simm.s32 $_size__tile_overlayer_lowered;
	s6 =	simm.s32 $_tile_overlayer_lowered  }
0x9e: {  	s21 =	simm.s32 $0x1BFF;
	s20 =	sshll.u32 s6, $0x1;
	s3 =	sadd.s32 s4, s18  }
0x9f: {  	s7 =	simm.s32 $0x0;
	s19 =	sshll.u32 s5, $0x1;
	s5 =	sadd.s32 s20, s3  }
0xa0: {  	[timem:s7], [sflag:s21] =	dma.local [hbm:s5], s19  }
0xa1: {  	_ =	swait.ge [sflag:s21], s19  }
0xa2: {  	s4 =	ssub.s32 $0x0, s19;
	[sflag:s21] =	ssyncset.done $0x0  }
0xa3: {  	[sflag:s21] =	ssyncadd.s32 s4;
	_ =	sdelay $0x1  }
0xa4: {  	s22 =	simm.s32 $0x1B8B  }
0xa5: {  	_ =	swait.ge [sflag:s22], $0x1  }
0xa6: {  	[sflag:s22] =	ssyncset.done $0x0  }
0xa7: {  	s23 =	simm.s32 $0x1B8E;
	[sflag:s22] =	ssyncadd.s32 $0xFFFFFFFF  }
0xa8: {  	s24 =	simm.s32 $execute0_lowered;
	[smem:$0x3FD2] =	sst s23  }
0xa9: {  	s4 =	sshll.u32 s24, $0x1;
	_ =	strace $0x80000046;
	[dreg:$0x1] =	wrdreg $0xFFFFFFFF  }
0xaa: {  	s25 =	simm.s32 $_size_execute0_lowered;
	s3 =	sadd.s32 s3, s4;
	[dreg:$0x0] =	wrdreg $0x0  }
0xab: {  	s4 =	sshll.u32 s25, $0x1;
	[dreg:$0x2] =	wrdreg s3  }
0xac: {  	[dreg:$0x3] =	wrdreg s4  }
0xad: {  	[dreg:$0x4] =	wrdreg $0xC0  }
0xae: {  	_ =	task [dreg:s7], $0x5FFFF  }
0xaf: {  	[dreg:$0x1] =	wrdreg $0xFFFFFFFF  }
0xb0: {  	[dreg:$0x0] =	wrdreg $0x60  }
0xb1: {  	[dreg:$0x2] =	wrdreg s14  }
0xb2: {  	[dreg:$0x3] =	wrdreg s15  }
0xb3: {  	[dreg:$0x4] =	wrdreg s16  }
0xb4: {  	[dreg:$0x5] =	wrdreg $0x9  }
0xb5: {  	_ =	task.clear_ibuf [dreg:s7], $0x6FFFF;
	_ =	strace $0x90000046  }
0xb6: {  	s26 =	simm.s32 $0x9;
	_ =	strace $0x80000048  }
0xb7: {  	_ =	swait.ge [sflag:s26], $0x1  }
0xb8: {  	[sflag:s26] =	ssyncadd.s32 $0xFFFFFFFF  }
0xb9: {  	_ =	strace $0x90000048  }
0xba: {  	_ =	sfence  }
0xbb: {  	s28 =	sld [smem:$0x0];
	_ =	sdelay $0x1  }
0xbc: {  	s29 =	srdreg.scid  }
0xbd: {  	s30 =	sshll.u32 s29, $0xD;
	s31 =	sshrl.u32 s29, $0x2  }
0xbe: {  	s1 =	sand.u32 $0x1, s29;
	s2 =	sand.u32 $0x4000, s30;
	s0 =	sadd.s32 s31, s28  }
0xbf: {  	s1 =	sor.u32 s2, s1;
	s0 =	sshll.u32 s0, $0x11  }
0xc0: {  	s0 =	sor.u32 s0, s1  }
0xc1: {  	s0 =	sadd.s32 $0x8F2B, s0  }
0xc2: {  	[sflag:s0] =	ssyncadd.remote.s32 $0x1  }
0xc3: {  	_ =	sfence.sel $0xFFFF  }
0xc4: {  	[dreg:$0x0] =	wrdreg $0xFFFFFFFF;
	(pc) =	sbr.abs _section_cstart, $3  }
0xc5: {  	[dreg:$0x1] =	wrdreg $0xFFFFFFFF  }
0xc6: {  	_ =	task.clear_ibuf [dreg:s7], $0x2FFFF;
	_ =	strace $0x9FFFFFFF  }
0xc7: {  	(tm) =	ssettm $0x7FFFFFFF  }
tec
execute0_lowered:
.L_overlay_start_1:
0x0: {  	(tag) =	ssettag $0x1  }
0x1: {  	s3 =	rddreg [dreg:$0x0]  }
0x2: {  	s4 =	rddreg [dreg:$0x1]  }
0x3: {  	s2 =	rddreg [dreg:$0x2];
	s1 =	simm.s32 $0x0  }
0x4: {  	[smem:$0x7FF] =	sst s1  }
0x5: {  	s0 =	rddreg [dreg:$0x3];
	s26 =	simm.s32 $0x3;
	_ =	strace $0x80000047  }
0x6: {  	[tilespmem:s1], [sflag:$0x3] =	stream.linear.gather [hbm4b:s3+s1], $0x80, $0x38;
	[tilespmem:$0x880] =	vst v63  }
0x7: {  	_ =	swait.ge [sflag:s26], $0x80  }
0x8: {  	[sflag:s26] =	ssyncset.done $0x0  }
0x9: {  	[sflag:s26] =	ssyncadd.s32 $0xFFFFFF80  }
0xa: {  	v0 =	vimm.s32 $0x1;
	v1 =	vld.msk [tilespmem:s1+$0x0], $0xffff;
	_ =	sdelay $0x4  }
0xb: {  	v0 =	vld.idx.msk [tilespmem:v0+s1+$0x0], $0xffff;
	[tilespmem:$0x80] =	vst v1  }
0xc: {  	[tilespmem:$0x90] =	vst v1  }
0xd: {  	[tilespmem:$0xA0] =	vst v1  }
0xe: {  	[tilespmem:$0xB0] =	vst v1  }
0xf: {  	[tilespmem:$0xC0] =	vst v1  }
0x10: {  	[tilespmem:$0xD0] =	vst v1  }
0x11: {  	[tilespmem:$0xE0] =	vst v1  }
0x12: {  	[tilespmem:$0xF0] =	vst v1  }
0x13: {  	[tilespmem:$0x100] =	vst v1  }
0x14: {  	[tilespmem:$0x110] =	vst v1  }
0x15: {  	[tilespmem:$0x120] =	vst v1  }
0x16: {  	[tilespmem:$0x130] =	vst v1  }
0x17: {  	[tilespmem:$0x140] =	vst v1  }
0x18: {  	[tilespmem:$0x150] =	vst v1  }
0x19: {  	[tilespmem:$0x160] =	vst v1  }
0x1a: {  	[tilespmem:$0x170] =	vst v1  }
0x1b: {  	[tilespmem:$0x180] =	vst v1  }
0x1c: {  	[tilespmem:$0x190] =	vst v1  }
0x1d: {  	[tilespmem:$0x1A0] =	vst v1  }
0x1e: {  	[tilespmem:$0x1B0] =	vst v1  }
0x1f: {  	[tilespmem:$0x1C0] =	vst v1  }
0x20: {  	[tilespmem:$0x1D0] =	vst v1  }
0x21: {  	[tilespmem:$0x1E0] =	vst v1  }
0x22: {  	[tilespmem:$0x1F0] =	vst v1  }
0x23: {  	[tilespmem:$0x200] =	vst v1  }
0x24: {  	[tilespmem:$0x210] =	vst v1  }
0x25: {  	[tilespmem:$0x220] =	vst v1  }
0x26: {  	[tilespmem:$0x230] =	vst v1  }
0x27: {  	[tilespmem:$0x240] =	vst v1  }
0x28: {  	[tilespmem:$0x250] =	vst v1  }
0x29: {  	[tilespmem:$0x260] =	vst v1  }
0x2a: {  	[tilespmem:$0x270] =	vst v1  }
0x2b: {  	[tilespmem:$0x280] =	vst v1  }
0x2c: {  	[tilespmem:$0x290] =	vst v1  }
0x2d: {  	[tilespmem:$0x2A0] =	vst v1  }
0x2e: {  	[tilespmem:$0x2B0] =	vst v1  }
0x2f: {  	[tilespmem:$0x2C0] =	vst v1  }
0x30: {  	[tilespmem:$0x2D0] =	vst v1  }
0x31: {  	[tilespmem:$0x2E0] =	vst v1  }
0x32: {  	[tilespmem:$0x2F0] =	vst v1  }
0x33: {  	[tilespmem:$0x300] =	vst v1  }
0x34: {  	[tilespmem:$0x310] =	vst v1  }
0x35: {  	[tilespmem:$0x320] =	vst v1  }
0x36: {  	[tilespmem:$0x330] =	vst v1  }
0x37: {  	[tilespmem:$0x340] =	vst v1  }
0x38: {  	[tilespmem:$0x350] =	vst v1  }
0x39: {  	[tilespmem:$0x360] =	vst v1  }
0x3a: {  	[tilespmem:$0x370] =	vst v1  }
0x3b: {  	[tilespmem:$0x380] =	vst v1  }
0x3c: {  	[tilespmem:$0x390] =	vst v1  }
0x3d: {  	[tilespmem:$0x3A0] =	vst v1  }
0x3e: {  	[tilespmem:$0x3B0] =	vst v1  }
0x3f: {  	[tilespmem:$0x3C0] =	vst v1  }
0x40: {  	[tilespmem:$0x3D0] =	vst v1  }
0x41: {  	[tilespmem:$0x3E0] =	vst v1  }
0x42: {  	[tilespmem:$0x3F0] =	vst v1  }
0x43: {  	[tilespmem:$0x400] =	vst v1  }
0x44: {  	[tilespmem:$0x410] =	vst v1  }
0x45: {  	[tilespmem:$0x420] =	vst v1  }
0x46: {  	[tilespmem:$0x430] =	vst v1  }
0x47: {  	[tilespmem:$0x440] =	vst v1  }
0x48: {  	s28 =	stileid.u32;
	[tilespmem:$0x450] =	vst v1  }
0x49: {  	s5 =	sshll.u32 s28, $0x7;
	[tilespmem:$0x460] =	vst v1  }
0x4a: {  	s6 =	simm.s32 $0x80;
	s4 =	sadd.s32 s4, s5;
	[tilespmem:$0x470] =	vst v1  }
0x4b: {  	[hbm4b:s4+s1] =	stream.linear.scatter [tilespmem:s6], [sflag:$0x1], $0x400, $0x38;
	[tilespmem:$0x880] =	vst v63  }
0x4c: {  	[tilespmem:$0x480] =	vst v0  }
0x4d: {  	[tilespmem:$0x490] =	vst v0  }
0x4e: {  	[tilespmem:$0x4A0] =	vst v0  }
0x4f: {  	[tilespmem:$0x4B0] =	vst v0  }
0x50: {  	[tilespmem:$0x4C0] =	vst v0  }
0x51: {  	[tilespmem:$0x4D0] =	vst v0  }
0x52: {  	[tilespmem:$0x4E0] =	vst v0  }
0x53: {  	[tilespmem:$0x4F0] =	vst v0  }
0x54: {  	[tilespmem:$0x500] =	vst v0  }
0x55: {  	[tilespmem:$0x510] =	vst v0  }
0x56: {  	[tilespmem:$0x520] =	vst v0  }
0x57: {  	[tilespmem:$0x530] =	vst v0  }
0x58: {  	[tilespmem:$0x540] =	vst v0  }
0x59: {  	[tilespmem:$0x550] =	vst v0  }
0x5a: {  	[tilespmem:$0x560] =	vst v0  }
0x5b: {  	[tilespmem:$0x570] =	vst v0  }
0x5c: {  	[tilespmem:$0x580] =	vst v0  }
0x5d: {  	[tilespmem:$0x590] =	vst v0  }
0x5e: {  	[tilespmem:$0x5A0] =	vst v0  }
0x5f: {  	[tilespmem:$0x5B0] =	vst v0  }
0x60: {  	[tilespmem:$0x5C0] =	vst v0  }
0x61: {  	[tilespmem:$0x5D0] =	vst v0  }
0x62: {  	[tilespmem:$0x5E0] =	vst v0  }
0x63: {  	[tilespmem:$0x5F0] =	vst v0  }
0x64: {  	[tilespmem:$0x600] =	vst v0  }
0x65: {  	[tilespmem:$0x610] =	vst v0  }
0x66: {  	[tilespmem:$0x620] =	vst v0  }
0x67: {  	[tilespmem:$0x630] =	vst v0  }
0x68: {  	[tilespmem:$0x640] =	vst v0  }
0x69: {  	[tilespmem:$0x650] =	vst v0  }
0x6a: {  	[tilespmem:$0x660] =	vst v0  }
0x6b: {  	[tilespmem:$0x670] =	vst v0  }
0x6c: {  	[tilespmem:$0x680] =	vst v0  }
0x6d: {  	[tilespmem:$0x690] =	vst v0  }
0x6e: {  	[tilespmem:$0x6A0] =	vst v0  }
0x6f: {  	[tilespmem:$0x6B0] =	vst v0  }
0x70: {  	[tilespmem:$0x6C0] =	vst v0  }
0x71: {  	[tilespmem:$0x6D0] =	vst v0  }
0x72: {  	[tilespmem:$0x6E0] =	vst v0  }
0x73: {  	[tilespmem:$0x6F0] =	vst v0  }
0x74: {  	[tilespmem:$0x700] =	vst v0  }
0x75: {  	[tilespmem:$0x710] =	vst v0  }
0x76: {  	[tilespmem:$0x720] =	vst v0  }
0x77: {  	[tilespmem:$0x730] =	vst v0  }
0x78: {  	[tilespmem:$0x740] =	vst v0  }
0x79: {  	[tilespmem:$0x750] =	vst v0  }
0x7a: {  	[tilespmem:$0x760] =	vst v0  }
0x7b: {  	[tilespmem:$0x770] =	vst v0  }
0x7c: {  	[tilespmem:$0x780] =	vst v0  }
0x7d: {  	[tilespmem:$0x790] =	vst v0  }
0x7e: {  	[tilespmem:$0x7A0] =	vst v0  }
0x7f: {  	[tilespmem:$0x7B0] =	vst v0  }
0x80: {  	[tilespmem:$0x7C0] =	vst v0  }
0x81: {  	[tilespmem:$0x7D0] =	vst v0  }
0x82: {  	[tilespmem:$0x7E0] =	vst v0  }
0x83: {  	[tilespmem:$0x7F0] =	vst v0  }
0x84: {  	[tilespmem:$0x800] =	vst v0  }
0x85: {  	[tilespmem:$0x810] =	vst v0  }
0x86: {  	[tilespmem:$0x820] =	vst v0  }
0x87: {  	[tilespmem:$0x830] =	vst v0  }
0x88: {  	[tilespmem:$0x840] =	vst v0  }
0x89: {  	[tilespmem:$0x850] =	vst v0  }
0x8a: {  	[tilespmem:$0x860] =	vst v0  }
0x8b: {  	s29 =	simm.s32 $0x480;
	s30 =	simm.s32 $0x1;
	s2 =	sadd.s32 s2, s5;
	[tilespmem:$0x870] =	vst v0  }
0x8c: {  	[hbm4b:s2+s1] =	stream.linear.scatter [tilespmem:s29], [sflag:$0x2], $0x400, $0x38;
	[tilespmem:$0x880] =	vst v63  }
0x8d: {  	_ =	swait.ge [sflag:s30], $0x400  }
0x8e: {  	[sflag:s30] =	ssyncset.done $0x0  }
0x8f: {  	s31 =	simm.s32 $0x2;
	[sflag:s30] =	ssyncadd.s32 $0xFFFFFC00  }
0x90: {  	_ =	swait.ge [sflag:s31], $0x400  }
0x91: {  	[sflag:s31] =	ssyncset.done $0x0  }
0x92: {  	[sflag:s31] =	ssyncadd.s32 $0xFFFFFC00  }
0x93: {  	_ =	sfence.sel $0x180000  }
0x94: {  	[bflag:$0x0] =	sbarrier.arrive $0xFFFF  }
0x95: {  	p0 =	sne.s32 s28, $0x0;
	_ =	strace $0x90000047  }
0x96: {  	s0 =	sadd.s32 @!p0 $0x100000, s0;
	[bflag:$0x2] =	sbarrier.arrive $0xFFFF  }
0x97: {  	[sflag:s0] =	ssyncadd.tile.s32 @!p0 $0x1;
	_ =	shalt  }
.Lfunc_end2:
_tile_overlayer_lowered:
.L_overlay_start_2:
0x98: {  	(tag) =	ssettag $0x2  }
0x99: {  	s0 =	rddreg [dreg:$0x0];
	s2 =	stileid.u32  }
0x9a: {  	s1 =	rddreg [dreg:$0x1];
	p0 =	sne.s32 s2, $0x0  }
0x9b: {  	s3 =	rddreg [dreg:$0x2];
	[bflag:$0x3] =	sbarrier.arrive $0xFFFF;
	s2 =	simm.s32 @!p0 $0x1C03  }
0x9c: {  	[timem:s3], [sflag:s2] =	dma.local @!p0 [hbm:s0], s1  }
0x9d: {  	s0 =	simm.s32 @!p0 $0x3  }
0x9e: {  	_ =	swait.ge @!p0 [sflag:s0], s1  }
0x9f: {  	s1 =	ssub.s32 @!p0 $0x0, s1;
	[sflag:s0] =	ssyncset.done @!p0 $0x0  }
0xa0: {  	[sflag:s0] =	ssyncadd.s32 @!p0 s1  }
0xa1: {  	[bflag:$0x3] =	sbarrier.arrive $0xFFFF  }
0xa2: {  	_ =	shalt  }

</sc_bundles>
